<compile_context>
chip_gen: v7x
topology: tpu7x:2x2x1
jax: 0.10.2.dev20260603
libtpu: 0.0.44.dev20260713+nightly
codegen_flags: <defaults>
</compile_context>

<pallas_src>
import functools

import jax
import jax.numpy as jnp
from jax import lax
from jax.experimental import pallas as pl
from jax.experimental.pallas import tpu as pltpu
from jax.experimental.pallas import tpu_sc as plsc

N = 10000
E = 320000
D = 128
NRBF = 32
NV = 3
B = 100
ZV = 100
CUT = 5.0

_NC = 2
_NS = 16
_NW = _NC * _NS
_EW = E // _NW
_C = 40
_NCHUNK = _EW // _C
_NB = (_NCHUNK - 2) // 4
_NP = 10240
_RPT = _NP // _NS

_BLK = 400
_NBLK = N // _BLK
_EBLK = 2560
_NEBLK = E // _EBLK
_BP = 128



def _sqdist_body(px_hbm, py_hbm, pz_hbm, src_hbm, dst_hbm, out_hbm,
                 px_v, py_v, pz_v, src_v, dst_v, out_v):
    cid = lax.axis_index("c")
    sid = lax.axis_index("s")
    wid = cid * _NS + sid
    pltpu.sync_copy(px_hbm, px_v)
    pltpu.sync_copy(py_hbm, py_v)
    pltpu.sync_copy(pz_hbm, pz_v)
    pltpu.sync_copy(src_hbm.at[pl.ds(wid * _EW, _EW)], src_v)
    pltpu.sync_copy(dst_hbm.at[pl.ds(wid * _EW, _EW)], dst_v)

    def step(j, carry):
        sl = pl.ds(j * 16, 16)
        si = src_v[sl]
        di = dst_v[sl]
        dx = plsc.load_gather(px_v, [si]) - plsc.load_gather(px_v, [di])
        dy = plsc.load_gather(py_v, [si]) - plsc.load_gather(py_v, [di])
        dz = plsc.load_gather(pz_v, [si]) - plsc.load_gather(pz_v, [di])
        out_v[sl] = dx * dx + dy * dy + dz * dz
        return carry

    lax.fori_loop(0, _EW // 16, step, 0, unroll=4)
    pltpu.sync_copy(out_v, out_hbm.at[pl.ds(wid * _EW, _EW)])


@jax.jit
def _sqdist(px, py, pz, src, dst):
    mesh = plsc.VectorSubcoreMesh(core_axis_name="c", subcore_axis_name="s")
    return pl.kernel(
        _sqdist_body,
        mesh=mesh,
        compiler_params=pltpu.CompilerParams(needs_layout_passes=False),
        out_type=jax.ShapeDtypeStruct((E,), jnp.float32),
        scratch_types=[
            pltpu.VMEM((N,), jnp.float32),
            pltpu.VMEM((N,), jnp.float32),
            pltpu.VMEM((N,), jnp.float32),
            pltpu.VMEM((_EW,), jnp.int32),
            pltpu.VMEM((_EW,), jnp.int32),
            pltpu.VMEM((_EW,), jnp.float32),
        ],
    )(px, py, pz, src, dst)


def _edge_mp_body(h_hbm, efilt_hbm, src_hbm, dst_hbm, zeros_hbm, out_hbm,
                  src_t, dst_t, rows0, rows1, filt0, filt1, prod0, prod1,
                  agg_sh, gs0, gs1, fs0, fs1, ss0, ss1, is0, is1, is2, is3):
    cid = lax.axis_index("c")
    sid = lax.axis_index("s")
    wid = cid * _NS + sid
    row_base = wid * _EW

    R = (rows0, rows1)
    F = (filt0, filt1)
    P = (prod0, prod1)
    GS = (gs0, gs1)
    FS = (fs0, fs1)
    SS = (ss0, ss1)
    IS = (is0, is1, is2, is3)

    def idx_start(j, q):
        pltpu.async_copy(src_hbm.at[wid, j], src_t.at[q], IS[q])
        pltpu.async_copy(dst_hbm.at[wid, j], dst_t.at[q], IS[q])

    def idx_wait(j, q):
        pltpu.make_async_copy(src_hbm.at[wid, j], src_t.at[q], IS[q]).wait()
        pltpu.make_async_copy(dst_hbm.at[wid, j], dst_t.at[q], IS[q]).wait()

    def fetch_start(j, b, q):
        pltpu.async_copy(h_hbm.at[src_t.at[q]], R[b], GS[b])
        pltpu.async_copy(
            efilt_hbm.at[pl.ds(row_base + j * _C, _C)], F[b], FS[b])

    def fetch_wait(j, b, q):
        pltpu.make_async_copy(h_hbm.at[src_t.at[q]], R[b], GS[b]).wait()
        pltpu.make_async_copy(
            efilt_hbm.at[pl.ds(row_base + j * _C, _C)], F[b], FS[b]).wait()

    def mul(b):
        rows, filt, prod = R[b], F[b], P[b]

        def mul_row(k, carry2):
            for d in range(D // 16):
                sl = pl.ds(d * 16, 16)
                prod[k, sl] = rows[k, sl] * filt[k, sl]
            return carry2
        lax.fori_loop(0, _C, mul_row, 0, unroll=4)

    def scat_start(b, q):
        pltpu.async_copy(P[b], agg_sh.at[dst_t.at[q]], SS[b], add=True)

    def scat_wait(b, q):
        pltpu.make_async_copy(P[b], agg_sh.at[dst_t.at[q]], SS[b]).wait()

    pltpu.sync_copy(zeros_hbm.at[pl.ds(sid * _RPT, _RPT)],
                    agg_sh.at[pl.ds(sid * _RPT, _RPT)])
    plsc.subcore_barrier()

    idx_start(0, 0)
    idx_start(1, 1)
    idx_start(2, 2)
    idx_wait(0, 0)
    fetch_start(0, 0, 0)
    fetch_wait(0, 0, 0)
    idx_wait(1, 1)
    fetch_start(1, 1, 1)
    idx_start(3, 3)
    mul(0)
    scat_start(0, 0)
    fetch_wait(1, 1, 1)
    idx_wait(2, 2)
    fetch_start(2, 0, 2)
    mul(1)
    scat_start(1, 1)

    def block(k, carry):
        j0 = 4 * k + 2
        for i, (b, q) in enumerate(((0, 2), (1, 3), (0, 0), (1, 1))):
            j = j0 + i
            qf = (q + 2) % 4
            q1 = (q + 1) % 4
            fetch_wait(j, b, q)
            jg = j + 1
            jg = jnp.where(jg >= _NCHUNK, jg - _NCHUNK, jg)
            idx_wait(jg, q1)
            fetch_start(jg, 1 - b, q1)
            scat_wait(b, qf)
            jn = j + 2
            jn = jnp.where(jn >= _NCHUNK, jn - _NCHUNK, jn)
            idx_start(jn, qf)
            mul(b)
            scat_start(b, q)
        return carry

    lax.fori_loop(0, _NB, block, 0)

    scat_wait(0, 0)
    scat_wait(1, 1)
    fetch_wait(0, 0, 2)
    idx_wait(1, 3)

    plsc.subcore_barrier()
    pltpu.sync_copy(agg_sh.at[pl.ds(sid * _RPT, _RPT)],
                    out_hbm.at[cid, pl.ds(sid * _RPT, _RPT)])


@jax.jit
def _edge_mp(h, efilt, src2, dst2, zeros):
    mesh = plsc.VectorSubcoreMesh(core_axis_name="c", subcore_axis_name="s")
    return pl.kernel(
        _edge_mp_body,
        mesh=mesh,
        out_type=jax.ShapeDtypeStruct((_NC, _NP, D), jnp.float32),
        scratch_types=[
            pltpu.VMEM((4, _C), jnp.int32),
            pltpu.VMEM((4, _C), jnp.int32),
            pltpu.VMEM((_C, D), jnp.float32),
            pltpu.VMEM((_C, D), jnp.float32),
            pltpu.VMEM((_C, D), jnp.float32),
            pltpu.VMEM((_C, D), jnp.float32),
            pltpu.VMEM((_C, D), jnp.float32),
            pltpu.VMEM((_C, D), jnp.float32),
            pltpu.VMEM_SHARED((_NP, D), jnp.float32),
            pltpu.SemaphoreType.DMA,
            pltpu.SemaphoreType.DMA,
            pltpu.SemaphoreType.DMA,
            pltpu.SemaphoreType.DMA,
            pltpu.SemaphoreType.DMA,
            pltpu.SemaphoreType.DMA,
            pltpu.SemaphoreType.DMA,
            pltpu.SemaphoreType.DMA,
            pltpu.SemaphoreType.DMA,
            pltpu.SemaphoreType.DMA,
        ],
    )(h, efilt, src2, dst2, zeros)



def _ohT(idx_row, width):
    ids = jax.lax.broadcasted_iota(jnp.int32, (width, idx_row.shape[-1]), 0)
    return (idx_row == ids).astype(jnp.float32)


def _dot0(a, b):
    return jax.lax.dot_general(a, b, (((0,), (0,)), ((), ())),
                               precision=jax.lax.Precision.HIGHEST,
                               preferred_element_type=jnp.float32)


def _counts_body(batch_ref, out_ref):
    i = pl.program_id(0)

    @pl.when(i == 0)
    def _():
        out_ref[...] = jnp.zeros_like(out_ref)

    ohT = _ohT(batch_ref[0], _BP)
    out_ref[...] += jnp.sum(ohT, axis=1, keepdims=True)


@jax.jit
def _counts_k(batch3):
    return pl.pallas_call(
        _counts_body,
        grid=(_NBLK,),
        in_specs=[pl.BlockSpec((1, 1, _BLK), lambda i: (i, 0, 0))],
        out_specs=pl.BlockSpec((_BP, 1), lambda i: (0, 0)),
        out_shape=jax.ShapeDtypeStruct((_BP, 1), jnp.float32),
    )(batch3)


def _nodes_body(z_ref, batch_ref, counts_ref, emb_ref, wv_ref, wb_ref,
                h_ref, fv_ref, fb_ref):
    recip = 1.0 / jnp.maximum(counts_ref[...], 1.0)
    ohbT = _ohT(batch_ref[0], _BP)
    w = _dot0(recip, ohbT)
    cw = jax.lax.broadcasted_iota(jnp.int32, (NRBF, 1), 0).astype(jnp.float32) * (1.0 / (NRBF - 1))
    rbfT = jnp.exp(-50.0 * (w - cw) ** 2)
    fv_ref[...] = _dot0(rbfT, wv_ref[...])
    fb_ref[...] = _dot0(rbfT, wb_ref[...])
    ohzT = _ohT(z_ref[0], ZV)
    h_ref[...] = _dot0(ohzT, emb_ref[...])


@jax.jit
def _nodes_k(z3, batch3, counts, emb, W_vrbf, W_brbf):
    out = jax.ShapeDtypeStruct((N, D), jnp.float32)
    return pl.pallas_call(
        _nodes_body,
        grid=(_NBLK,),
        in_specs=[
            pl.BlockSpec((1, 1, _BLK), lambda i: (i, 0, 0)),
            pl.BlockSpec((1, 1, _BLK), lambda i: (i, 0, 0)),
            pl.BlockSpec((_BP, 1), lambda i: (0, 0)),
            pl.BlockSpec((ZV, D), lambda i: (0, 0)),
            pl.BlockSpec((NRBF, D), lambda i: (0, 0)),
            pl.BlockSpec((NRBF, D), lambda i: (0, 0)),
        ],
        out_specs=[
            pl.BlockSpec((_BLK, D), lambda i: (i, 0)),
            pl.BlockSpec((_BLK, D), lambda i: (i, 0)),
            pl.BlockSpec((_BLK, D), lambda i: (i, 0)),
        ],
        out_shape=[out, out, out],
    )(z3, batch3, counts, emb, W_vrbf, W_brbf)


def _efilt_body(sq_ref, wr_ref, out_ref):
    dist = jnp.sqrt(sq_ref[0] + 1e-9)
    ce = jax.lax.broadcasted_iota(jnp.int32, (NRBF, 1), 0).astype(jnp.float32) * (CUT / (NRBF - 1))
    erbfT = jnp.exp(-10.0 * (dist - ce) ** 2)
    env = 0.5 * (jnp.cos(jnp.pi * jnp.clip(dist * (1.0 / CUT), 0.0, 1.0)) + 1.0)
    out_ref[...] = _dot0(erbfT * env, wr_ref[...])


@jax.jit
def _efilt_k(sq3, W_rbf):
    return pl.pallas_call(
        _efilt_body,
        grid=(_NEBLK,),
        in_specs=[
            pl.BlockSpec((1, 1, _EBLK), lambda i: (i, 0, 0)),
            pl.BlockSpec((NRBF, D), lambda i: (0, 0)),
        ],
        out_specs=pl.BlockSpec((_EBLK, D), lambda i: (i, 0)),
        out_shape=jax.ShapeDtypeStruct((E, D), jnp.float32),
    )(sq3, W_rbf)


def _S_body(batch_ref, h_ref, fv_ref, s0_ref, out_ref):
    i = pl.program_id(0)

    @pl.when(i == 0)
    def _():
        out_ref[...] = s0_ref[...]

    ohbT = _ohT(batch_ref[0], _BP)
    hv = h_ref[...] * fv_ref[...]
    out_ref[...] += float(NV) * jnp.dot(
        ohbT, hv, precision=jax.lax.Precision.HIGHEST,
        preferred_element_type=jnp.float32)


@jax.jit
def _S_k(batch3, h, F_v, S0):
    return pl.pallas_call(
        _S_body,
        grid=(_NBLK,),
        in_specs=[
            pl.BlockSpec((1, 1, _BLK), lambda i: (i, 0, 0)),
            pl.BlockSpec((_BLK, D), lambda i: (i, 0)),
            pl.BlockSpec((_BLK, D), lambda i: (i, 0)),
            pl.BlockSpec((_BP, D), lambda i: (0, 0)),
        ],
        out_specs=pl.BlockSpec((_BP, D), lambda i: (0, 0)),
        out_shape=jax.ShapeDtypeStruct((_BP, D), jnp.float32),
    )(batch3, h, F_v, S0)


def _hup_body(batch_ref, h_ref, agg_ref, fb_ref, s_ref, w1_ref, w2_ref,
              out_ref):
    ohbT = _ohT(batch_ref[0], _BP)
    bcast = fb_ref[...] * _dot0(ohbT, s_ref[...])
    a = agg_ref[0] + agg_ref[1] + bcast
    t = jnp.dot(a, w1_ref[...], precision=jax.lax.Precision.HIGHEST, preferred_element_type=jnp.float32)
    t = t * jax.nn.sigmoid(t)
    out_ref[...] = h_ref[...] + jnp.dot(t, w2_ref[...],
                                        precision=jax.lax.Precision.HIGHEST, preferred_element_type=jnp.float32)


@jax.jit
def _hup_k(batch3, h, parts, F_b, S, W1i, W2i):
    return pl.pallas_call(
        _hup_body,
        grid=(_NBLK,),
        in_specs=[
            pl.BlockSpec((1, 1, _BLK), lambda i: (i, 0, 0)),
            pl.BlockSpec((_BLK, D), lambda i: (i, 0)),
            pl.BlockSpec((2, _BLK, D), lambda i: (0, i, 0)),
            pl.BlockSpec((_BLK, D), lambda i: (i, 0)),
            pl.BlockSpec((_BP, D), lambda i: (0, 0)),
            pl.BlockSpec((D, D), lambda i: (0, 0)),
            pl.BlockSpec((D, D), lambda i: (0, 0)),
        ],
        out_specs=pl.BlockSpec((_BLK, D), lambda i: (i, 0)),
        out_shape=jax.ShapeDtypeStruct((N, D), jnp.float32),
    )(batch3, h, parts, F_b, S, W1i, W2i)


def _out_body(batch_ref, h_ref, lng_ref, lnb_ref, wo1_ref, bo1_ref,
              wo2_ref, bo2_ref, out_ref):
    i = pl.program_id(0)

    @pl.when(i == 0)
    def _():
        out_ref[...] = jnp.zeros_like(out_ref)

    h = h_ref[...]
    mu = jnp.mean(h, axis=-1, keepdims=True)
    xc = h - mu
    var = jnp.mean(xc * xc, axis=-1, keepdims=True)
    hn = xc * jax.lax.rsqrt(var + 1e-5) * lng_ref[...] + lnb_ref[...]
    t = jnp.dot(hn, wo1_ref[...], precision=jax.lax.Precision.HIGHEST, preferred_element_type=jnp.float32) + bo1_ref[...]
    t = t * jax.nn.sigmoid(t)
    e = jnp.dot(t, wo2_ref[...], precision=jax.lax.Precision.HIGHEST, preferred_element_type=jnp.float32) + bo2_ref[...]
    ohbT = _ohT(batch_ref[0], _BP)
    out_ref[...] += jnp.dot(ohbT, e, precision=jax.lax.Precision.HIGHEST, preferred_element_type=jnp.float32)


@jax.jit
def _out_k(batch3, h, ln_g, ln_b, Wo1, bo1, Wo2, bo2):
    return pl.pallas_call(
        _out_body,
        grid=(_NBLK,),
        in_specs=[
            pl.BlockSpec((1, 1, _BLK), lambda i: (i, 0, 0)),
            pl.BlockSpec((_BLK, D), lambda i: (i, 0)),
            pl.BlockSpec((1, D), lambda i: (0, 0)),
            pl.BlockSpec((1, D), lambda i: (0, 0)),
            pl.BlockSpec((D, D // 2), lambda i: (0, 0)),
            pl.BlockSpec((1, D // 2), lambda i: (0, 0)),
            pl.BlockSpec((D // 2, 1), lambda i: (0, 0)),
            pl.BlockSpec((1, 1), lambda i: (0, 0)),
        ],
        out_specs=pl.BlockSpec((_BP, 1), lambda i: (0, 0)),
        out_shape=jax.ShapeDtypeStruct((_BP, 1), jnp.float32),
    )(batch3, h, ln_g, ln_b, Wo1, bo1, Wo2, bo2)


def kernel(z, pos, edge_index, batch, emb, virt_emb, W_rbf, W_vrbf, W_brbf,
           W1, W2, ln_g, ln_b, Wo1, bo1, Wo2, bo2):
    src, dst = edge_index[0], edge_index[1]
    src2 = src.reshape(_NW, _NCHUNK, _C)
    dst2 = dst.reshape(_NW, _NCHUNK, _C)
    zeros = jnp.zeros((_NP, D), jnp.float32)
    z3 = z.reshape(_NBLK, 1, _BLK).astype(jnp.int32)
    batch3 = batch.reshape(_NBLK, 1, _BLK).astype(jnp.int32)
    posT = pos.T

    sq = _sqdist(posT[0], posT[1], posT[2], src, dst)
    efilt = _efilt_k(sq.reshape(_NEBLK, 1, _EBLK), W_rbf)

    counts = _counts_k(batch3)
    h, F_v, F_b = _nodes_k(z3, batch3, counts, emb, W_vrbf, W_brbf)

    S = jnp.zeros((_BP, D), jnp.float32).at[:B].set(
        jnp.broadcast_to(jnp.sum(virt_emb, axis=0), (B, D)))
    for i in range(3):
        parts = _edge_mp(h, efilt, src2, dst2, zeros)
        parts_n = jnp.stack([parts[0, :N], parts[1, :N]])
        S = _S_k(batch3, h, F_v, S)
        h = _hup_k(batch3, h, parts_n, F_b, S, W1[i], W2[i])

    energy = _out_k(batch3, h, ln_g.reshape(1, D), ln_b.reshape(1, D),
                    Wo1, bo1.reshape(1, D // 2), Wo2, bo2.reshape(1, 1))
    return energy[:B, 0]

# --- scband reference (transcript-rebuilt; emitter-appended) ---
"""Pipeline reference for scband-range-65730179498014 (READ-ONLY COPY).

The authoritative reference and input builder live on the scoring server;
editing this copy changes nothing except your own understanding.
"""

import jax, jax.numpy as jnp
import numpy as np

N = 10000; E = 320000; D = 128; NRBF = 32; NV = 3; B = 100; ZV = 100; CUT = 5.0


def setup_inputs(seed: int = 0):
    key = jax.random.key(seed)
    ks = jax.random.split(key, 20)
    z = jax.random.randint(ks[0], (N,), 0, ZV)
    pos = jax.random.normal(ks[1], (N, 3), dtype=jnp.float32) * 3.0
    edge_index = jax.random.randint(ks[2], (2, E), 0, N)
    batch = jnp.sort(jax.random.randint(ks[3], (N,), 0, B))
    s = 0.1
    emb = jax.random.normal(ks[4], (ZV, D), dtype=jnp.float32) * s
    virt_emb = jax.random.normal(ks[5], (NV, D), dtype=jnp.float32) * s
    W_rbf = jax.random.normal(ks[6], (NRBF, D), dtype=jnp.float32) * s
    W_vrbf = jax.random.normal(ks[7], (NRBF, D), dtype=jnp.float32) * s
    W_brbf = jax.random.normal(ks[8], (NRBF, D), dtype=jnp.float32) * s
    W1 = jax.random.normal(ks[9], (3, D, D), dtype=jnp.float32) * (1.0 / np.sqrt(D))
    W2 = jax.random.normal(ks[10], (3, D, D), dtype=jnp.float32) * (1.0 / np.sqrt(D))
    ln_g = jnp.ones((D,), dtype=jnp.float32)
    ln_b = jnp.zeros((D,), dtype=jnp.float32)
    Wo1 = jax.random.normal(ks[11], (D, D // 2), dtype=jnp.float32) * (1.0 / np.sqrt(D))
    bo1 = jnp.zeros((D // 2,), dtype=jnp.float32)
    Wo2 = jax.random.normal(ks[12], (D // 2, 1), dtype=jnp.float32) * (1.0 / np.sqrt(D // 2))
    bo2 = jnp.zeros((1,), dtype=jnp.float32)
    return dict(z=z, pos=pos, edge_index=edge_index, batch=batch, emb=emb, virt_emb=virt_emb,
                W_rbf=W_rbf, W_vrbf=W_vrbf, W_brbf=W_brbf, W1=W1, W2=W2, ln_g=ln_g, ln_b=ln_b,
                Wo1=Wo1, bo1=bo1, Wo2=Wo2, bo2=bo2)


def reference(z, pos, edge_index, batch, emb, virt_emb, W_rbf, W_vrbf, W_brbf, W1, W2, ln_g, ln_b, Wo1, bo1, Wo2, bo2):
    # real system: atom embedding lookup
    h = emb[z]
    # virtual system: NV levels of one virtual node per graph (level-major, matching torch.cat order)
    virt_h = jnp.repeat(virt_emb, B, axis=0)  # [NV*B, D]
    # calc_weights: per-atom weight from graph size; virt_basis = gaussian RBF expansion
    counts = jnp.maximum(jax.ops.segment_sum(jnp.ones((N,), dtype=jnp.float32), batch, num_segments=B), 1.0)
    w = 1.0 / counts[batch]
    cw = jnp.linspace(0.0, 1.0, NRBF)
    range_rbf = jnp.exp(-50.0 * (w[:, None] - cw[None, :]) ** 2)  # [N, NRBF]
    # aggregation edges: atom i -> virtual node (batch[i] + level*B)
    agg_src = jnp.tile(jnp.arange(N), NV)
    agg_dst = (jnp.tile(batch, (NV,)).reshape(NV, -1) + (jnp.arange(NV) * B)[:, None]).reshape(-1)
    agg_attr = jnp.tile(range_rbf, (NV, 1))  # [NV*N, NRBF]
    # real neighbor-list edges: distance RBF with cosine cutoff envelope
    src, dst = edge_index[0], edge_index[1]
    dvec = pos[src] - pos[dst]
    dist = jnp.sqrt(jnp.sum(dvec ** 2, axis=-1) + 1e-9)
    ce = jnp.linspace(0.0, CUT, NRBF)
    erbf = jnp.exp(-10.0 * (dist[:, None] - ce[None, :]) ** 2)
    env = 0.5 * (jnp.cos(jnp.pi * jnp.clip(dist / CUT, 0.0, 1.0)) + 1.0)
    efilt = (erbf * env[:, None]) @ W_rbf      # [E, D] continuous filters
    agg_filt = agg_attr @ W_vrbf               # [NV*N, D]
    b_filt = agg_attr @ W_brbf                 # [NV*N, D] (self broadcast edges have zero attrs -> zero msg)
    # interaction blocks: real message passing + virtual aggregation/broadcast
    for i in range(3):
        msg = h[src] * efilt
        agg = jax.ops.segment_sum(msg, dst, num_segments=N)
        vmsg = h[agg_src] * agg_filt
        virt_h = virt_h + jax.ops.segment_sum(vmsg, agg_dst, num_segments=NV * B)
        bcast = jax.ops.segment_sum(virt_h[agg_dst] * b_filt, agg_src, num_segments=N)
        h = h + jax.nn.silu((agg + bcast) @ W1[i]) @ W2[i]
    # layer norm + output network + per-graph energy scatter-add
    mu = jnp.mean(h, axis=-1, keepdims=True)
    var = jnp.var(h, axis=-1, keepdims=True)
    hn = (h - mu) / jnp.sqrt(var + 1e-5) * ln_g + ln_b
    energies = jax.nn.silu(hn @ Wo1 + bo1) @ Wo2 + bo2  # [N, 1]
    energy = jax.ops.segment_sum(energies[:, 0], batch, num_segments=B)
    return energy

if __name__ == "__main__":
    import jax
    _d = setup_inputs()
    print(jax.jit(kernel)(*tuple(_d.values())))

</pallas_src>

<mosaic_0001>
#map = affine_map<(d0, d1) -> (0)>
module attributes {stable_mosaic.version = 14 : i64} {
  func.func @_sqdist_body(%arg0: i32, %arg1: i32, %arg2: memref<10000xf32, #tpu.memory_space<hbm>>, %arg3: memref<10000xf32, #tpu.memory_space<hbm>>, %arg4: memref<10000xf32, #tpu.memory_space<hbm>>, %arg5: memref<320000xi32, #tpu.memory_space<hbm>>, %arg6: memref<320000xi32, #tpu.memory_space<hbm>>, %arg7: memref<320000xf32, #tpu.memory_space<hbm>>, %arg8: memref<10000xf32, #tpu.memory_space<vmem>>, %arg9: memref<10000xf32, #tpu.memory_space<vmem>>, %arg10: memref<10000xf32, #tpu.memory_space<vmem>>, %arg11: memref<10000xi32, #tpu.memory_space<vmem>>, %arg12: memref<10000xi32, #tpu.memory_space<vmem>>, %arg13: memref<10000xf32, #tpu.memory_space<vmem>>) attributes {dimension_semantics = [#tpu.dimension_semantics<core_parallel>, #tpu.dimension_semantics<subcore_parallel>], iteration_bounds = array<i64: 2, 16>, scalar_prefetch = 0 : i64, scratch_operands = 6 : i64, tpu.core_type = #tpu.core_type<sc_vector_subcore>, window_params = [{transform_indices = #map}, {transform_indices = #map}, {transform_indices = #map}, {transform_indices = #map}, {transform_indices = #map}, {transform_indices = #map}]} {
    %mul3A = arith.constant 16 : i32
    %mul3A_0 = arith.muli %arg0, %mul3A : i32
    %add3A = arith.addi %mul3A_0, %arg1 : i32
    "tpu.region"() ({
      %run_scoped3A = tpu.sem_alloc : memref<!tpu.dma_semaphore, #tpu.memory_space<semaphore_mem>>
      tpu.enqueue_dma source(%arg2 : memref<10000xf32, #tpu.memory_space<hbm>>) target(%arg8 : memref<10000xf32, #tpu.memory_space<vmem>>) target_semaphore(%run_scoped3A : memref<!tpu.dma_semaphore, #tpu.memory_space<semaphore_mem>>)
      tpu.wait_dma2 semaphore(%run_scoped3A : memref<!tpu.dma_semaphore, #tpu.memory_space<semaphore_mem>>) src(%arg2 : memref<10000xf32, #tpu.memory_space<hbm>>) dst(%arg8 : memref<10000xf32, #tpu.memory_space<vmem>>)
      tpu.yield
    }) : () -> ()
    "tpu.region"() ({
      %run_scoped3A = tpu.sem_alloc : memref<!tpu.dma_semaphore, #tpu.memory_space<semaphore_mem>>
      tpu.enqueue_dma source(%arg3 : memref<10000xf32, #tpu.memory_space<hbm>>) target(%arg9 : memref<10000xf32, #tpu.memory_space<vmem>>) target_semaphore(%run_scoped3A : memref<!tpu.dma_semaphore, #tpu.memory_space<semaphore_mem>>)
      tpu.wait_dma2 semaphore(%run_scoped3A : memref<!tpu.dma_semaphore, #tpu.memory_space<semaphore_mem>>) src(%arg3 : memref<10000xf32, #tpu.memory_space<hbm>>) dst(%arg9 : memref<10000xf32, #tpu.memory_space<vmem>>)
      tpu.yield
    }) : () -> ()
    "tpu.region"() ({
      %run_scoped3A = tpu.sem_alloc : memref<!tpu.dma_semaphore, #tpu.memory_space<semaphore_mem>>
      tpu.enqueue_dma source(%arg4 : memref<10000xf32, #tpu.memory_space<hbm>>) target(%arg10 : memref<10000xf32, #tpu.memory_space<vmem>>) target_semaphore(%run_scoped3A : memref<!tpu.dma_semaphore, #tpu.memory_space<semaphore_mem>>)
      tpu.wait_dma2 semaphore(%run_scoped3A : memref<!tpu.dma_semaphore, #tpu.memory_space<semaphore_mem>>) src(%arg4 : memref<10000xf32, #tpu.memory_space<hbm>>) dst(%arg10 : memref<10000xf32, #tpu.memory_space<vmem>>)
      tpu.yield
    }) : () -> ()
    %mul3A_1 = arith.constant 10000 : i32
    %mul3A_2 = arith.muli %add3A, %mul3A_1 : i32
    "tpu.region"() ({
      %run_scoped3A = tpu.sem_alloc : memref<!tpu.dma_semaphore, #tpu.memory_space<semaphore_mem>>
      %dma_start3A = tpu.memref_slice %arg5[%mul3A_2] : memref<320000xi32, #tpu.memory_space<hbm>> -> memref<10000xi32, #tpu.memory_space<hbm>>
      %dma_start3A_32 = tpu.memref_slice %arg5[%mul3A_2] : memref<320000xi32, #tpu.memory_space<hbm>> -> memref<10000xi32, #tpu.memory_space<hbm>>
      tpu.enqueue_dma source(%dma_start3A_32 : memref<10000xi32, #tpu.memory_space<hbm>>) target(%arg11 : memref<10000xi32, #tpu.memory_space<vmem>>) target_semaphore(%run_scoped3A : memref<!tpu.dma_semaphore, #tpu.memory_space<semaphore_mem>>)
      %dma_wait3A = tpu.memref_slice %arg5[%mul3A_2] : memref<320000xi32, #tpu.memory_space<hbm>> -> memref<10000xi32, #tpu.memory_space<hbm>>
      %dma_wait3A_33 = tpu.memref_slice %arg5[%mul3A_2] : memref<320000xi32, #tpu.memory_space<hbm>> -> memref<10000xi32, #tpu.memory_space<hbm>>
      tpu.wait_dma2 semaphore(%run_scoped3A : memref<!tpu.dma_semaphore, #tpu.memory_space<semaphore_mem>>) src(%dma_wait3A_33 : memref<10000xi32, #tpu.memory_space<hbm>>) dst(%arg11 : memref<10000xi32, #tpu.memory_space<vmem>>)
      tpu.yield
    }) : () -> ()
    %mul3A_3 = arith.constant 10000 : i32
    %mul3A_4 = arith.muli %add3A, %mul3A_3 : i32
    "tpu.region"() ({
      %run_scoped3A = tpu.sem_alloc : memref<!tpu.dma_semaphore, #tpu.memory_space<semaphore_mem>>
      %dma_start3A = tpu.memref_slice %arg6[%mul3A_4] : memref<320000xi32, #tpu.memory_space<hbm>> -> memref<10000xi32, #tpu.memory_space<hbm>>
      %dma_start3A_32 = tpu.memref_slice %arg6[%mul3A_4] : memref<320000xi32, #tpu.memory_space<hbm>> -> memref<10000xi32, #tpu.memory_space<hbm>>
      tpu.enqueue_dma source(%dma_start3A_32 : memref<10000xi32, #tpu.memory_space<hbm>>) target(%arg12 : memref<10000xi32, #tpu.memory_space<vmem>>) target_semaphore(%run_scoped3A : memref<!tpu.dma_semaphore, #tpu.memory_space<semaphore_mem>>)
      %dma_wait3A = tpu.memref_slice %arg6[%mul3A_4] : memref<320000xi32, #tpu.memory_space<hbm>> -> memref<10000xi32, #tpu.memory_space<hbm>>
      %dma_wait3A_33 = tpu.memref_slice %arg6[%mul3A_4] : memref<320000xi32, #tpu.memory_space<hbm>> -> memref<10000xi32, #tpu.memory_space<hbm>>
      tpu.wait_dma2 semaphore(%run_scoped3A : memref<!tpu.dma_semaphore, #tpu.memory_space<semaphore_mem>>) src(%dma_wait3A_33 : memref<10000xi32, #tpu.memory_space<hbm>>) dst(%arg12 : memref<10000xi32, #tpu.memory_space<vmem>>)
      tpu.yield
    }) : () -> ()
    %scan3A = arith.constant 0 : i32
    %scan3A_5 = arith.constant 0 : i32
    %scan3A_6 = arith.constant 624 : i32
    %scan3A_7 = arith.addi %scan3A_5, %scan3A_6 : i32
    %scan3A_8 = arith.constant 4 : i32
    scf.for %scan3A_32 = %scan3A_5 to %scan3A_7 step %scan3A_8  : i32 {
      %mul3A_33 = arith.constant 16 : i32
      %mul3A_34 = arith.muli %scan3A_32, %mul3A_33 : i32
      %get3A_35 = arith.index_cast %mul3A_34 : i32 to index
      %get3A_36 = tpu.vector_load %arg11[%get3A_35] {strides = array<i32>} : memref<10000xi32, #tpu.memory_space<vmem>>, vector<16xi32>,
      %get3A_37 = arith.index_cast %mul3A_34 : i32 to index
      %get3A_38 = tpu.vector_load %arg12[%get3A_37] {strides = array<i32>} : memref<10000xi32, #tpu.memory_space<vmem>>, vector<16xi32>,
      %gather3A_39 = tpu.vector_load_idx %arg8[%get3A_36] : memref<10000xf32, #tpu.memory_space<vmem>>[vector<16xi32>], vector<16xf32>,
      %gather3A_40 = tpu.vector_load_idx %arg8[%get3A_38] : memref<10000xf32, #tpu.memory_space<vmem>>[vector<16xi32>], vector<16xf32>,
      %sub3A_41 = arith.subf %gather3A_39, %gather3A_40 : vector<16xf32>
      %gather3A_42 = tpu.vector_load_idx %arg9[%get3A_36] : memref<10000xf32, #tpu.memory_space<vmem>>[vector<16xi32>], vector<16xf32>,
      %gather3A_43 = tpu.vector_load_idx %arg9[%get3A_38] : memref<10000xf32, #tpu.memory_space<vmem>>[vector<16xi32>], vector<16xf32>,
      %sub3A_44 = arith.subf %gather3A_42, %gather3A_43 : vector<16xf32>
      %gather3A_45 = tpu.vector_load_idx %arg10[%get3A_36] : memref<10000xf32, #tpu.memory_space<vmem>>[vector<16xi32>], vector<16xf32>,
      %gather3A_46 = tpu.vector_load_idx %arg10[%get3A_38] : memref<10000xf32, #tpu.memory_space<vmem>>[vector<16xi32>], vector<16xf32>,
      %sub3A_47 = arith.subf %gather3A_45, %gather3A_46 : vector<16xf32>
      %mul3A_48 = arith.mulf %sub3A_41, %sub3A_41 : vector<16xf32>
      %mul3A_49 = arith.mulf %sub3A_44, %sub3A_44 : vector<16xf32>
      %add3A_50 = arith.addf %mul3A_48, %mul3A_49 : vector<16xf32>
      %mul3A_51 = arith.mulf %sub3A_47, %sub3A_47 : vector<16xf32>
      %add3A_52 = arith.addf %add3A_50, %mul3A_51 : vector<16xf32>
      %swap3A_53 = arith.index_cast %mul3A_34 : i32 to index
      %swap3A_54 = tpu.vector_load %arg13[%swap3A_53] {strides = array<i32>} : memref<10000xf32, #tpu.memory_space<vmem>>, vector<16xf32>,
      tpu.vector_store %arg13[%swap3A_53], %add3A_52 {strides = array<i32>} : memref<10000xf32, #tpu.memory_space<vmem>>, vector<16xf32>,
      %scan3A_55 = arith.constant 1 : i32
      %scan3A_56 = arith.addi %scan3A_32, %scan3A_55 : i32
      %mul3A_57 = arith.constant 16 : i32
      %mul3A_58 = arith.muli %scan3A_56, %mul3A_57 : i32
      %get3A_59 = arith.index_cast %mul3A_58 : i32 to index
      %get3A_60 = tpu.vector_load %arg11[%get3A_59] {strides = array<i32>} : memref<10000xi32, #tpu.memory_space<vmem>>, vector<16xi32>,
      %get3A_61 = arith.index_cast %mul3A_58 : i32 to index
      %get3A_62 = tpu.vector_load %arg12[%get3A_61] {strides = array<i32>} : memref<10000xi32, #tpu.memory_space<vmem>>, vector<16xi32>,
      %gather3A_63 = tpu.vector_load_idx %arg8[%get3A_60] : memref<10000xf32, #tpu.memory_space<vmem>>[vector<16xi32>], vector<16xf32>,
      %gather3A_64 = tpu.vector_load_idx %arg8[%get3A_62] : memref<10000xf32, #tpu.memory_space<vmem>>[vector<16xi32>], vector<16xf32>,
      %sub3A_65 = arith.subf %gather3A_63, %gather3A_64 : vector<16xf32>
      %gather3A_66 = tpu.vector_load_idx %arg9[%get3A_60] : memref<10000xf32, #tpu.memory_space<vmem>>[vector<16xi32>], vector<16xf32>,
      %gather3A_67 = tpu.vector_load_idx %arg9[%get3A_62] : memref<10000xf32, #tpu.memory_space<vmem>>[vector<16xi32>], vector<16xf32>,
      %sub3A_68 = arith.subf %gather3A_66, %gather3A_67 : vector<16xf32>
      %gather3A_69 = tpu.vector_load_idx %arg10[%get3A_60] : memref<10000xf32, #tpu.memory_space<vmem>>[vector<16xi32>], vector<16xf32>,
      %gather3A_70 = tpu.vector_load_idx %arg10[%get3A_62] : memref<10000xf32, #tpu.memory_space<vmem>>[vector<16xi32>], vector<16xf32>,
      %sub3A_71 = arith.subf %gather3A_69, %gather3A_70 : vector<16xf32>
      %mul3A_72 = arith.mulf %sub3A_65, %sub3A_65 : vector<16xf32>
      %mul3A_73 = arith.mulf %sub3A_68, %sub3A_68 : vector<16xf32>
      %add3A_74 = arith.addf %mul3A_72, %mul3A_73 : vector<16xf32>
      %mul3A_75 = arith.mulf %sub3A_71, %sub3A_71 : vector<16xf32>
      %add3A_76 = arith.addf %add3A_74, %mul3A_75 : vector<16xf32>
      %swap3A_77 = arith.index_cast %mul3A_58 : i32 to index
      %swap3A_78 = tpu.vector_load %arg13[%swap3A_77] {strides = array<i32>} : memref<10000xf32, #tpu.memory_space<vmem>>, vector<16xf32>,
      tpu.vector_store %arg13[%swap3A_77], %add3A_76 {strides = array<i32>} : memref<10000xf32, #tpu.memory_space<vmem>>, vector<16xf32>,
      %scan3A_79 = arith.constant 2 : i32
      %scan3A_80 = arith.addi %scan3A_32, %scan3A_79 : i32
      %mul3A_81 = arith.constant 16 : i32
      %mul3A_82 = arith.muli %scan3A_80, %mul3A_81 : i32
      %get3A_83 = arith.index_cast %mul3A_82 : i32 to index
      %get3A_84 = tpu.vector_load %arg11[%get3A_83] {strides = array<i32>} : memref<10000xi32, #tpu.memory_space<vmem>>, vector<16xi32>,
      %get3A_85 = arith.index_cast %mul3A_82 : i32 to index
      %get3A_86 = tpu.vector_load %arg12[%get3A_85] {strides = array<i32>} : memref<10000xi32, #tpu.memory_space<vmem>>, vector<16xi32>,
      %gather3A_87 = tpu.vector_load_idx %arg8[%get3A_84] : memref<10000xf32, #tpu.memory_space<vmem>>[vector<16xi32>], vector<16xf32>,
      %gather3A_88 = tpu.vector_load_idx %arg8[%get3A_86] : memref<10000xf32, #tpu.memory_space<vmem>>[vector<16xi32>], vector<16xf32>,
      %sub3A_89 = arith.subf %gather3A_87, %gather3A_88 : vector<16xf32>
      %gather3A_90 = tpu.vector_load_idx %arg9[%get3A_84] : memref<10000xf32, #tpu.memory_space<vmem>>[vector<16xi32>], vector<16xf32>,
      %gather3A_91 = tpu.vector_load_idx %arg9[%get3A_86] : memref<10000xf32, #tpu.memory_space<vmem>>[vector<16xi32>], vector<16xf32>,
      %sub3A_92 = arith.subf %gather3A_90, %gather3A_91 : vector<16xf32>
      %gather3A_93 = tpu.vector_load_idx %arg10[%get3A_84] : memref<10000xf32, #tpu.memory_space<vmem>>[vector<16xi32>], vector<16xf32>,
      %gather3A_94 = tpu.vector_load_idx %arg10[%get3A_86] : memref<10000xf32, #tpu.memory_space<vmem>>[vector<16xi32>], vector<16xf32>,
      %sub3A_95 = arith.subf %gather3A_93, %gather3A_94 : vector<16xf32>
      %mul3A_96 = arith.mulf %sub3A_89, %sub3A_89 : vector<16xf32>
      %mul3A_97 = arith.mulf %sub3A_92, %sub3A_92 : vector<16xf32>
      %add3A_98 = arith.addf %mul3A_96, %mul3A_97 : vector<16xf32>
      %mul3A_99 = arith.mulf %sub3A_95, %sub3A_95 : vector<16xf32>
      %add3A_100 = arith.addf %add3A_98, %mul3A_99 : vector<16xf32>
      %swap3A_101 = arith.index_cast %mul3A_82 : i32 to index
      %swap3A_102 = tpu.vector_load %arg13[%swap3A_101] {strides = array<i32>} : memref<10000xf32, #tpu.memory_space<vmem>>, vector<16xf32>,
      tpu.vector_store %arg13[%swap3A_101], %add3A_100 {strides = array<i32>} : memref<10000xf32, #tpu.memory_space<vmem>>, vector<16xf32>,
      %scan3A_103 = arith.constant 3 : i32
      %scan3A_104 = arith.addi %scan3A_32, %scan3A_103 : i32
      %mul3A_105 = arith.constant 16 : i32
      %mul3A_106 = arith.muli %scan3A_104, %mul3A_105 : i32
      %get3A_107 = arith.index_cast %mul3A_106 : i32 to index
      %get3A_108 = tpu.vector_load %arg11[%get3A_107] {strides = array<i32>} : memref<10000xi32, #tpu.memory_space<vmem>>, vector<16xi32>,
      %get3A_109 = arith.index_cast %mul3A_106 : i32 to index
      %get3A_110 = tpu.vector_load %arg12[%get3A_109] {strides = array<i32>} : memref<10000xi32, #tpu.memory_space<vmem>>, vector<16xi32>,
      %gather3A_111 = tpu.vector_load_idx %arg8[%get3A_108] : memref<10000xf32, #tpu.memory_space<vmem>>[vector<16xi32>], vector<16xf32>,
      %gather3A_112 = tpu.vector_load_idx %arg8[%get3A_110] : memref<10000xf32, #tpu.memory_space<vmem>>[vector<16xi32>], vector<16xf32>,
      %sub3A_113 = arith.subf %gather3A_111, %gather3A_112 : vector<16xf32>
      %gather3A_114 = tpu.vector_load_idx %arg9[%get3A_108] : memref<10000xf32, #tpu.memory_space<vmem>>[vector<16xi32>], vector<16xf32>,
      %gather3A_115 = tpu.vector_load_idx %arg9[%get3A_110] : memref<10000xf32, #tpu.memory_space<vmem>>[vector<16xi32>], vector<16xf32>,
      %sub3A_116 = arith.subf %gather3A_114, %gather3A_115 : vector<16xf32>
      %gather3A_117 = tpu.vector_load_idx %arg10[%get3A_108] : memref<10000xf32, #tpu.memory_space<vmem>>[vector<16xi32>], vector<16xf32>,
      %gather3A_118 = tpu.vector_load_idx %arg10[%get3A_110] : memref<10000xf32, #tpu.memory_space<vmem>>[vector<16xi32>], vector<16xf32>,
      %sub3A_119 = arith.subf %gather3A_117, %gather3A_118 : vector<16xf32>
      %mul3A_120 = arith.mulf %sub3A_113, %sub3A_113 : vector<16xf32>
      %mul3A_121 = arith.mulf %sub3A_116, %sub3A_116 : vector<16xf32>
      %add3A_122 = arith.addf %mul3A_120, %mul3A_121 : vector<16xf32>
      %mul3A_123 = arith.mulf %sub3A_119, %sub3A_119 : vector<16xf32>
      %add3A_124 = arith.addf %add3A_122, %mul3A_123 : vector<16xf32>
      %swap3A_125 = arith.index_cast %mul3A_106 : i32 to index
      %swap3A_126 = tpu.vector_load %arg13[%swap3A_125] {strides = array<i32>} : memref<10000xf32, #tpu.memory_space<vmem>>, vector<16xf32>,
      tpu.vector_store %arg13[%swap3A_125], %add3A_124 {strides = array<i32>} : memref<10000xf32, #tpu.memory_space<vmem>>, vector<16xf32>,
    }
    %scan3A_9 = arith.constant 624 : i32
    %scan3A_10 = arith.addi %scan3A_5, %scan3A_9 : i32
    %mul3A_11 = arith.constant 16 : i32
    %mul3A_12 = arith.muli %scan3A_10, %mul3A_11 : i32
    %get3A = arith.index_cast %mul3A_12 : i32 to index
    %get3A_13 = tpu.vector_load %arg11[%get3A] {strides = array<i32>} : memref<10000xi32, #tpu.memory_space<vmem>>, vector<16xi32>,
    %get3A_14 = arith.index_cast %mul3A_12 : i32 to index
    %get3A_15 = tpu.vector_load %arg12[%get3A_14] {strides = array<i32>} : memref<10000xi32, #tpu.memory_space<vmem>>, vector<16xi32>,
    %gather3A = tpu.vector_load_idx %arg8[%get3A_13] : memref<10000xf32, #tpu.memory_space<vmem>>[vector<16xi32>], vector<16xf32>,
    %gather3A_16 = tpu.vector_load_idx %arg8[%get3A_15] : memref<10000xf32, #tpu.memory_space<vmem>>[vector<16xi32>], vector<16xf32>,
    %sub3A = arith.subf %gather3A, %gather3A_16 : vector<16xf32>
    %gather3A_17 = tpu.vector_load_idx %arg9[%get3A_13] : memref<10000xf32, #tpu.memory_space<vmem>>[vector<16xi32>], vector<16xf32>,
    %gather3A_18 = tpu.vector_load_idx %arg9[%get3A_15] : memref<10000xf32, #tpu.memory_space<vmem>>[vector<16xi32>], vector<16xf32>,
    %sub3A_19 = arith.subf %gather3A_17, %gather3A_18 : vector<16xf32>
    %gather3A_20 = tpu.vector_load_idx %arg10[%get3A_13] : memref<10000xf32, #tpu.memory_space<vmem>>[vector<16xi32>], vector<16xf32>,
    %gather3A_21 = tpu.vector_load_idx %arg10[%get3A_15] : memref<10000xf32, #tpu.memory_space<vmem>>[vector<16xi32>], vector<16xf32>,
    %sub3A_22 = arith.subf %gather3A_20, %gather3A_21 : vector<16xf32>
    %mul3A_23 = arith.mulf %sub3A, %sub3A : vector<16xf32>
    %mul3A_24 = arith.mulf %sub3A_19, %sub3A_19 : vector<16xf32>
    %add3A_25 = arith.addf %mul3A_23, %mul3A_24 : vector<16xf32>
    %mul3A_26 = arith.mulf %sub3A_22, %sub3A_22 : vector<16xf32>
    %add3A_27 = arith.addf %add3A_25, %mul3A_26 : vector<16xf32>
    %swap3A = arith.index_cast %mul3A_12 : i32 to index
    %swap3A_28 = tpu.vector_load %arg13[%swap3A] {strides = array<i32>} : memref<10000xf32, #tpu.memory_space<vmem>>, vector<16xf32>,
    tpu.vector_store %arg13[%swap3A], %add3A_27 {strides = array<i32>} : memref<10000xf32, #tpu.memory_space<vmem>>, vector<16xf32>,
    %scan3A_29 = arith.constant 625 : i32
    %mul3A_30 = arith.constant 10000 : i32
    %mul3A_31 = arith.muli %add3A, %mul3A_30 : i32
    "tpu.region"() ({
      %run_scoped3A = tpu.sem_alloc : memref<!tpu.dma_semaphore, #tpu.memory_space<semaphore_mem>>
      %dma_start3A = tpu.memref_slice %arg7[%mul3A_31] : memref<320000xf32, #tpu.memory_space<hbm>> -> memref<10000xf32, #tpu.memory_space<hbm>>
      %dma_start3A_32 = tpu.memref_slice %arg7[%mul3A_31] : memref<320000xf32, #tpu.memory_space<hbm>> -> memref<10000xf32, #tpu.memory_space<hbm>>
      tpu.enqueue_dma source(%arg13 : memref<10000xf32, #tpu.memory_space<vmem>>) target(%dma_start3A_32 : memref<10000xf32, #tpu.memory_space<hbm>>) target_semaphore(%run_scoped3A : memref<!tpu.dma_semaphore, #tpu.memory_space<semaphore_mem>>)
      %dma_wait3A = tpu.memref_slice %arg7[%mul3A_31] : memref<320000xf32, #tpu.memory_space<hbm>> -> memref<10000xf32, #tpu.memory_space<hbm>>
      %dma_wait3A_33 = tpu.memref_slice %arg7[%mul3A_31] : memref<320000xf32, #tpu.memory_space<hbm>> -> memref<10000xf32, #tpu.memory_space<hbm>>
      tpu.wait_dma2 semaphore(%run_scoped3A : memref<!tpu.dma_semaphore, #tpu.memory_space<semaphore_mem>>) src(%arg13 : memref<10000xf32, #tpu.memory_space<vmem>>) dst(%dma_wait3A_33 : memref<10000xf32, #tpu.memory_space<hbm>>)
      tpu.yield
    }) : () -> ()
    return
  }
}

</mosaic_0001>

<sc_bundles>
// kernel: _sqdist.3.cloned.1.call-start
scs
__scs_entry_jumppad:
0x0: {  	(pc) =	sbr.rel $0x88, $3  }
0x1: {  	(tag) =	ssettag $0x0;
	lr =	simm.s32 $0x1  }
0x2: {  	[smem:$0x3F9C] =	sst lr;
	_ =	strace $0xD0000000  }
0x3: {  	_ = 	snop  }
0x4: {  	_ = 	snop  }
0x5: {  	_ = 	snop  }
0x6: {  	_ = 	snop  }
0x7: {  	_ = 	snop  }
__scs_overlays_trampoline_lowered:
0x8: {  	[smem:$0x3FAB] =	sst s0  }
0x9: {  	[smem:$0x3FAC] =	sst s1  }
0xa: {  	[smem:$0x3FAD] =	sst s2  }
0xb: {  	[smem:$0x3FAE] =	sst s3  }
0xc: {  	[smem:$0x3FAF] =	sst s4  }
0xd: {  	[smem:$0x3FB0] =	sst s5  }
0xe: {  	[smem:$0x3FB1] =	sst s6  }
0xf: {  	[smem:$0x3FB2] =	sst s7  }
0x10: {  	[smem:$0x3FB3] =	sst s8  }
0x11: {  	[smem:$0x3FB4] =	sst s9;
	s0 =	simm.s32 @!p0 $0x0  }
0x12: {  	s1 =	sld [smem:$0x3F9A];
	s0 =	simm.s32 @p0 $0x1  }
0x13: {  	[smem:$0x3FB5] =	sst s0;
	s0 =	simm.s32 @!p1 $0x0  }
0x14: {  	s2 =	sld [smem:$0x3F99];
	s0 =	simm.s32 @p1 $0x1  }
0x15: {  	[smem:$0x3FB6] =	sst s0;
	s0 =	simm.s32 @!p2 $0x0  }
0x16: {  	s3 =	sld [smem:$0x3FDB];
	s0 =	simm.s32 @p2 $0x1  }
0x17: {  	s4 =	simm.s32 $0x1BF5;
	[smem:$0x3FB8] =	sst s0  }
0x18: {  	s0 =	sld [smem:$0x3F9B];
	_ =	swait.ge [sflag:s4], $0x0  }
0x19: {  	s7 =	sld [smem:$0x3F9C]  }
0x1a: {  	s8 =	sadd.s32 $0xFFFFE003, lr  }
0x1b: {  	s9 =	sadd.s32 $0xFFFFFEF7, lr;
	s5 =	simm.s32 $0xFFFFFFFF;
	p2 =	slt.u32 s8, $0xFFFFF086  }
0x1c: {  	p1 =	slt.u32 s9, $0xF7A;
	s5 =	simm.s32 @!p2 $0x0  }
0x1d: {  	s5 =	simm.s32 @p1 $0x1;
	p0 =	seq.s32 s7, s2  }
0x1e: {  	s7 =	smul.u32 @!p0 $0xF7A, s2;
	p2 =	seq.s32 @!p0 s5, $0x0  }
0x1f: {  	s9 =	smul.u32 $0xF7A, s1;
	s8 =	simm.s32 @!p0 $0x1BF5;
	p2 =	por !p2, p0  }
0x20: {  	[sflag:s8] =	ssyncset.s32 @!p0 $0xFFFFF086;
	s6 =	sadd.s32 @!p0 s3, s7;
	s7 =	simm.s32 @!p0 $0x108  }
0x21: {  	s3 =	sadd.s32 s3, s9;
	s6 =	sadd.s32 @!p0 $0x88, s6;
	s7 =	simm.s32 @p2 $0x1082  }
0x22: {  	[simem:s7], [sflag:s8] =	dma.local @!p0 [hbm:s6], $0xF7A  }
0x23: {  	s9 =	sor.u32 $0xD0000000, s2;
	s6 =	simm.s32 $0x108;
	_ =	swait.ge @!p0 [sflag:s8], $0x0  }
0x24: {  	s3 =	sadd.s32 $0x88, s3;
	s6 =	simm.s32 @!p1 $0x1082;
	[sflag:s4] =	ssyncset.s32 $0xFFFFF086  }
0x25: {  	[simem:s6], [sflag:s4] =	dma.local [hbm:s3], $0xF7A  }
0x26: {  	[smem:$0x3F9C] =	sst s1;
	(tag) =	ssettag s2;
	_ =	strace s9  }
0x27: {  	s1 =	sld [smem:$0x3FAC]  }
0x28: {  	s2 =	sld [smem:$0x3FAD]  }
0x29: {  	s4 =	sld [smem:$0x3FAF]  }
0x2a: {  	p0 =	seq.s32 s5, $0x0;
	s5 =	sld [smem:$0x3FB0]  }
0x2b: {  	s6 =	sld [smem:$0x3FB1]  }
0x2c: {  	s7 =	sld [smem:$0x3FB2]  }
0x2d: {  	s3 =	simm.s32 $0x108;
	s8 =	sld [smem:$0x3FB3]  }
0x2e: {  	s3 =	simm.s32 @!p0 $0x1082;
	s9 =	sld [smem:$0x3FB4]  }
0x2f: {  	lr =	sadd.s32 s0, s3;
	s0 =	sld [smem:$0x3FAB]  }
0x30: {  	s3 =	sld [smem:$0x3FAE]  }
0x31: {  	[smem:$0x3FB7] =	sst s10  }
0x32: {  	s10 =	sld [smem:$0x3FB5];
	_ =	sdelay $0x3  }
0x33: {  	p0 =	seq.s32 s10, $0x1;
	s10 =	sld [smem:$0x3FB7];
	_ =	sdelay $0x3  }
0x34: {  	[smem:$0x3FB7] =	sst s10  }
0x35: {  	s10 =	sld [smem:$0x3FB6];
	_ =	sdelay $0x3  }
0x36: {  	p1 =	seq.s32 s10, $0x1;
	s10 =	sld [smem:$0x3FB7];
	_ =	sdelay $0x3  }
0x37: {  	[smem:$0x3FB7] =	sst s10  }
0x38: {  	s10 =	sld [smem:$0x3FB8]  }
0x39: {  	_ = 	snop;
	(pc) =	sbr.ind lr, $3  }
0x3a: {  	_ = 	snop  }
0x3b: {  	_ = 	snop  }
0x3c: {  	p2 =	seq.s32 s10, $0x1;
	s10 =	sld [smem:$0x3FB7]  }
0x3d: {  	_ =	shalt  }
0x3e: {  	_ =	shalt  }
0x3f: {  	_ =	shalt  }
0x40: {  	_ =	shalt  }
0x41: {  	_ =	shalt  }
0x42: {  	_ =	shalt  }
0x43: {  	_ =	shalt  }
0x44: {  	_ =	shalt  }
0x45: {  	_ =	shalt  }
0x46: {  	_ =	shalt  }
0x47: {  	_ =	shalt  }
0x48: {  	_ =	shalt  }
0x49: {  	_ =	shalt  }
0x4a: {  	_ =	shalt  }
0x4b: {  	_ =	shalt  }
0x4c: {  	_ =	shalt  }
0x4d: {  	_ =	shalt  }
0x4e: {  	_ =	shalt  }
0x4f: {  	_ =	shalt  }
0x50: {  	_ =	shalt  }
0x51: {  	_ =	shalt  }
0x52: {  	_ =	shalt  }
0x53: {  	_ =	shalt  }
0x54: {  	_ =	shalt  }
0x55: {  	_ =	shalt  }
0x56: {  	_ =	shalt  }
0x57: {  	_ =	shalt  }
0x58: {  	_ =	shalt  }
0x59: {  	_ =	shalt  }
0x5a: {  	_ =	shalt  }
0x5b: {  	_ =	shalt  }
0x5c: {  	_ =	shalt  }
0x5d: {  	_ =	shalt  }
0x5e: {  	_ =	shalt  }
0x5f: {  	_ =	shalt  }
0x60: {  	_ =	shalt  }
0x61: {  	_ =	shalt  }
0x62: {  	_ =	shalt  }
0x63: {  	_ =	shalt  }
0x64: {  	_ =	shalt  }
0x65: {  	_ =	shalt  }
0x66: {  	_ =	shalt  }
0x67: {  	_ =	shalt  }
0x68: {  	_ =	shalt  }
0x69: {  	_ =	shalt  }
0x6a: {  	_ =	shalt  }
0x6b: {  	_ =	shalt  }
0x6c: {  	_ =	shalt  }
0x6d: {  	_ =	shalt  }
0x6e: {  	_ =	shalt  }
0x6f: {  	_ =	shalt  }
0x70: {  	_ =	shalt  }
0x71: {  	_ =	shalt  }
0x72: {  	_ =	shalt  }
0x73: {  	_ =	shalt  }
0x74: {  	_ =	shalt  }
0x75: {  	_ =	shalt  }
0x76: {  	_ =	shalt  }
0x77: {  	_ =	shalt  }
0x78: {  	_ =	shalt  }
0x79: {  	_ =	shalt  }
0x7a: {  	_ =	shalt  }
0x7b: {  	_ =	shalt  }
0x7c: {  	_ =	shalt  }
0x7d: {  	_ =	shalt  }
0x7e: {  	_ =	shalt  }
0x7f: {  	_ =	shalt  }
0x80: {  	_ =	shalt  }
0x81: {  	_ =	shalt  }
0x82: {  	_ =	shalt  }
0x83: {  	_ =	shalt  }
0x84: {  	_ =	shalt  }
0x85: {  	_ =	shalt  }
0x86: {  	_ =	shalt  }
0x87: {  	_ =	shalt  }
.Lfunc_end0:
.L_simem_size_0:
called_computation_lowered:
.L_overlay_start_0:
0x88: {  	s2 =	sld [smem:$0x3FD9]  }
0x89: {  	s3 =	sld [smem:$0x3FFE];
	_ =	sdelay $0x1  }
0x8a: {  	s1 =	srdreg.scid  }
0x8b: {  	s0 =	sand.u32 $0x1, s1  }
0x8c: {  	s18 =	sshll.u32 s0, $0xA;
	s2 =	sadd.s32 s3, s2  }
0x8d: {  	s2 =	sadd.s32 s2, s18  }
0x8e: {  	[smem:$0x3FC3] =	sst s2  }
0x8f: {  	_ = 	snop  }
0x90: {  	s2 =	sld [smem:$0x3FC9]  }
0x91: {  	s19 =	sld [smem:$0x3FC8]  }
0x92: {  	s4 =	sld [smem:$0x3FC7]  }
0x93: {  	s5 =	sld [smem:$0x3FC6]  }
0x94: {  	s6 =	sld [smem:$0x3FC5]  }
0x95: {  	s7 =	sld [smem:$0x3FD0];
	(tm) =	ssettm $0x1  }
0x96: {  	s8 =	sld [smem:$0x3FFB];
	_ =	sdelay $0x3  }
0x97: {  	_ =	strace s8  }
0x98: {  	s8 =	sld [smem:$0x3FFC];
	_ =	sdelay $0x3  }
0x99: {  	_ =	strace s8  }
0x9a: {  	s8 =	sld [smem:$0x3FFD];
	_ =	sdelay $0x3  }
0x9b: {  	_ =	strace s8  }
0x9c: {  	_ =	strace $0x8FFFFFFF  }
0x9d: {  	s20 =	sld [smem:$0x3FDB];
	_ =	sdelay $0x1  }
0x9e: {  	s9 =	simm.s32 $_scs_section_size  }
0x9f: {  	s10 =	simm.s32 $_size__tile_overlayer_lowered;
	s11 =	simm.s32 $_tile_overlayer_lowered  }
0xa0: {  	s23 =	simm.s32 $0x1BFF;
	s22 =	sshll.u32 s11, $0x1;
	s8 =	sadd.s32 s9, s20  }
0xa1: {  	s12 =	simm.s32 $0x0;
	s21 =	sshll.u32 s10, $0x1;
	s10 =	sadd.s32 s22, s8  }
0xa2: {  	[timem:s12], [sflag:s23] =	dma.local [hbm:s10], s21  }
0xa3: {  	_ =	swait.ge [sflag:s23], s21  }
0xa4: {  	s9 =	ssub.s32 $0x0, s21;
	[sflag:s23] =	ssyncset.done $0x0  }
0xa5: {  	[sflag:s23] =	ssyncadd.s32 s9;
	_ =	sdelay $0x1  }
0xa6: {  	s24 =	simm.s32 $0x1B8B  }
0xa7: {  	_ =	swait.ge [sflag:s24], $0x1  }
0xa8: {  	[sflag:s24] =	ssyncset.done $0x0  }
0xa9: {  	s25 =	simm.s32 $0x1B8E;
	[sflag:s24] =	ssyncadd.s32 $0xFFFFFFFF  }
0xaa: {  	s26 =	simm.s32 $execute0_lowered;
	[smem:$0x3FD2] =	sst s25  }
0xab: {  	s9 =	sshll.u32 s26, $0x1;
	_ =	strace $0x80000046;
	[dreg:$0x1] =	wrdreg $0xFFFFFFFF  }
0xac: {  	s28 =	simm.s32 $_size_execute0_lowered;
	s8 =	sadd.s32 s8, s9;
	[dreg:$0x0] =	wrdreg $0x0  }
0xad: {  	s9 =	sshll.u32 s28, $0x1;
	[dreg:$0x2] =	wrdreg s8  }
0xae: {  	[dreg:$0x3] =	wrdreg s9  }
0xaf: {  	[dreg:$0x4] =	wrdreg $0xC0  }
0xb0: {  	_ =	task [dreg:s12], $0x5FFFF  }
0xb1: {  	[dreg:$0x1] =	wrdreg $0xFFFFFFFF  }
0xb2: {  	[dreg:$0x0] =	wrdreg $0x60  }
0xb3: {  	[dreg:$0x2] =	wrdreg s2  }
0xb4: {  	[dreg:$0x3] =	wrdreg s19  }
0xb5: {  	[dreg:$0x4] =	wrdreg s4  }
0xb6: {  	[dreg:$0x5] =	wrdreg s5  }
0xb7: {  	[dreg:$0x6] =	wrdreg s6  }
0xb8: {  	[dreg:$0x7] =	wrdreg s7  }
0xb9: {  	[dreg:$0x8] =	wrdreg $0x9  }
0xba: {  	_ =	task.clear_ibuf [dreg:s12], $0x9FFFF;
	_ =	strace $0x90000046  }
0xbb: {  	s29 =	simm.s32 $0x9;
	_ =	strace $0x80000048  }
0xbc: {  	_ =	swait.ge [sflag:s29], $0x1  }
0xbd: {  	[sflag:s29] =	ssyncadd.s32 $0xFFFFFFFF  }
0xbe: {  	_ =	strace $0x90000048  }
0xbf: {  	_ =	sfence  }
0xc0: {  	s30 =	sld [smem:$0x0];
	_ =	sdelay $0x2  }
0xc1: {  	s31 =	sshll.u32 s1, $0xD;
	s1 =	sshrl.u32 s1, $0x2  }
0xc2: {  	s3 =	sand.u32 $0x4000, s31;
	s1 =	sadd.s32 s1, s30  }
0xc3: {  	s0 =	sor.u32 s3, s0;
	s1 =	sshll.u32 s1, $0x11  }
0xc4: {  	s0 =	sor.u32 s1, s0  }
0xc5: {  	s0 =	sadd.s32 $0x8F2B, s0  }
0xc6: {  	[sflag:s0] =	ssyncadd.remote.s32 $0x1  }
0xc7: {  	_ =	sfence.sel $0xFFFF  }
0xc8: {  	[dreg:$0x0] =	wrdreg $0xFFFFFFFF;
	(pc) =	sbr.abs _section_cstart, $3  }
0xc9: {  	[dreg:$0x1] =	wrdreg $0xFFFFFFFF  }
0xca: {  	_ =	task.clear_ibuf [dreg:s12], $0x2FFFF;
	_ =	strace $0x9FFFFFFF  }
0xcb: {  	(tm) =	ssettm $0x7FFFFFFF  }
tec
execute0_lowered:
.L_overlay_start_1:
0x0: {  	(tag) =	ssettag $0x1  }
0x1: {  	s0 =	rddreg [dreg:$0x0]  }
0x2: {  	s1 =	rddreg [dreg:$0x1]  }
0x3: {  	s2 =	rddreg [dreg:$0x2]  }
0x4: {  	s6 =	rddreg [dreg:$0x3]  }
0x5: {  	s3 =	srdreg.scid;
	s7 =	rddreg [dreg:$0x4]  }
0x6: {  	s9 =	rddreg [dreg:$0x5];
	s4 =	stileid.u32;
	s5 =	simm.s32 $0x0  }
0x7: {  	s12 =	simm.s32 $0x4F00;
	s13 =	simm.s32 $0x7680;
	s8 =	sand.u32 $0x1, s3  }
0x8: {  	s14 =	simm.s32 $0x9E00;
	s15 =	simm.s32 $0xC580;
	s10 =	sshll.u32 s8, $0x4  }
0x9: {  	s16 =	simm.s32 $0x0;
	s8 =	ssub.s32 $0x2, s8;
	s10 =	sor.u32 s4, s10  }
0xa: {  	[smem:$0x7FF] =	sst s5;
	s11 =	sshrl.u32 s8, $0x1;
	s10 =	smul.u32 $0x4E2, s10  }
0xb: {  	s3 =	rddreg [dreg:$0x6];
	_ =	strace $0x80000047;
	s11 =	ssub.s32 s8, s11  }
0xc: {  	s6 =	sadd.s32 s6, s10;
	s7 =	sadd.s32 s7, s10;
	s8 =	sadd.s32 s9, s10  }
0xd: {  	s9 =	smax.u32 s11, $0x1;
	s10 =	simm.s32 $0x1;
	s11 =	simm.s32 $0x2780  }
.LBB2_1:
0xe: {  	[tilespmem:s5], [sflag:$0x1] =	stream.linear.gather [hbm4b:s0+s5], $0x2780, $0x38;
	[tilespmem:$0xED00] =	vst v63  }
0xf: {  	_ =	swait.ge [sflag:s10], $0x2780  }
0x10: {  	[sflag:s10] =	ssyncset.done $0x0  }
0x11: {  	[sflag:s10] =	ssyncadd.s32 $0xFFFFD880  }
0x12: {  	[tilespmem:s11], [sflag:$0x1] =	stream.linear.gather [hbm4b:s1+s5], $0x2780, $0x38;
	[tilespmem:$0xED00] =	vst v63  }
0x13: {  	_ =	swait.ge [sflag:s10], $0x2780  }
0x14: {  	[sflag:s10] =	ssyncset.done $0x0  }
0x15: {  	[sflag:s10] =	ssyncadd.s32 $0xFFFFD880  }
0x16: {  	[tilespmem:s12], [sflag:$0x1] =	stream.linear.gather [hbm4b:s2+s5], $0x2780, $0x38;
	[tilespmem:$0xED00] =	vst v63  }
0x17: {  	_ =	swait.ge [sflag:s10], $0x2780  }
0x18: {  	[sflag:s10] =	ssyncset.done $0x0  }
0x19: {  	[sflag:s10] =	ssyncadd.s32 $0xFFFFD880  }
0x1a: {  	[tilespmem:s13], [sflag:$0x1] =	stream.linear.gather [hbm4b:s6+s5], $0x2710, $0x38;
	[tilespmem:$0xED00] =	vst v63  }
0x1b: {  	_ =	swait.ge [sflag:s10], $0x2710  }
0x1c: {  	[sflag:s10] =	ssyncset.done $0x0  }
0x1d: {  	[sflag:s10] =	ssyncadd.s32 $0xFFFFD8F0  }
0x1e: {  	[tilespmem:s14], [sflag:$0x1] =	stream.linear.gather [hbm4b:s7+s5], $0x2710, $0x38;
	[tilespmem:$0xED00] =	vst v63  }
0x1f: {  	_ =	swait.ge [sflag:s10], $0x2710  }
0x20: {  	s17 =	simm.s32 $0xFFFFFFFC;
	s18 =	simm.s32 $0xC5A0;
	[sflag:s10] =	ssyncset.done $0x0  }
0x21: {  	s19 =	simm.s32 $0x9E20;
	s20 =	simm.s32 $0x76A0;
	[sflag:s10] =	ssyncadd.s32 $0xFFFFD8F0  }
.LBB2_2:
0x22: {  	v0 =	vld [tilespmem:s20+$0xFFFFFFE0]  }
0x23: {  	v1 =	vld [tilespmem:s19+$0xFFFFFFE0];
	_ =	sdelay $0x6  }
0x24: {  	v2 =	vld.idx.msk [tilespmem:v0+s5+$0x0], $0xffff  }
0x25: {  	v3 =	vld.idx.msk [tilespmem:v1+s5+$0x0], $0xffff  }
0x26: {  	v4 =	vld.idx.msk [tilespmem:v0+s11+$0x0], $0xffff  }
0x27: {  	v5 =	vld.idx.msk [tilespmem:v1+s11+$0x0], $0xffff  }
0x28: {  	v0 =	vld.idx.msk [tilespmem:v0+s12+$0x0], $0xffff  }
0x29: {  	v1 =	vld.idx.msk [tilespmem:v1+s12+$0x0], $0xffff;
	_ =	sdelay $0x2  }
0x2a: {  	v2 =	vsub.f32 v2, v3;
	v37 =	vsub.f32 v4, v5;
	_ =	sdelay $0x1  }
0x2b: {  	v0 =	vsub.f32 v0, v1;
	v38 =	vmul.f32 v2, v2;
	v39 =	vmul.f32 v37, v37;
	_ =	sdelay $0x1  }
0x2c: {  	v0 =	vmul.f32 v0, v0;
	v1 =	vadd.f32 v39, v38;
	_ =	sdelay $0x1  }
0x2d: {  	v0 =	vadd.f32 v0, v1;
	_ =	sdelay $0x1  }
0x2e: {  	[tilespmem:s18+$0xFFFFFFE0] =	vst v0  }
0x2f: {  	v0 =	vld [tilespmem:s20+$0xFFFFFFF0]  }
0x30: {  	v40 =	vld [tilespmem:s19+$0xFFFFFFF0];
	_ =	sdelay $0x6  }
0x31: {  	v41 =	vld.idx.msk [tilespmem:v0+s5+$0x0], $0xffff  }
0x32: {  	v42 =	vld.idx.msk [tilespmem:v40+s5+$0x0], $0xffff  }
0x33: {  	v43 =	vld.idx.msk [tilespmem:v0+s11+$0x0], $0xffff  }
0x34: {  	v44 =	vld.idx.msk [tilespmem:v40+s11+$0x0], $0xffff  }
0x35: {  	v0 =	vld.idx.msk [tilespmem:v0+s12+$0x0], $0xffff  }
0x36: {  	v1 =	vld.idx.msk [tilespmem:v40+s12+$0x0], $0xffff;
	_ =	sdelay $0x2  }
0x37: {  	v2 =	vsub.f32 v41, v42;
	v45 =	vsub.f32 v43, v44;
	_ =	sdelay $0x1  }
0x38: {  	v0 =	vsub.f32 v0, v1;
	v46 =	vmul.f32 v2, v2;
	v47 =	vmul.f32 v45, v45;
	_ =	sdelay $0x1  }
0x39: {  	v0 =	vmul.f32 v0, v0;
	v1 =	vadd.f32 v47, v46;
	_ =	sdelay $0x1  }
0x3a: {  	v0 =	vadd.f32 v0, v1;
	_ =	sdelay $0x1  }
0x3b: {  	[tilespmem:s18+$0xFFFFFFF0] =	vst v0  }
0x3c: {  	v0 =	vld [tilespmem:s20+$0x0]  }
0x3d: {  	v48 =	vld [tilespmem:s19+$0x0];
	_ =	sdelay $0x6  }
0x3e: {  	v49 =	vld.idx.msk [tilespmem:v0+s5+$0x0], $0xffff  }
0x3f: {  	v50 =	vld.idx.msk [tilespmem:v48+s5+$0x0], $0xffff  }
0x40: {  	v51 =	vld.idx.msk [tilespmem:v0+s11+$0x0], $0xffff  }
0x41: {  	v52 =	vld.idx.msk [tilespmem:v48+s11+$0x0], $0xffff  }
0x42: {  	v0 =	vld.idx.msk [tilespmem:v0+s12+$0x0], $0xffff  }
0x43: {  	v1 =	vld.idx.msk [tilespmem:v48+s12+$0x0], $0xffff;
	_ =	sdelay $0x2  }
0x44: {  	v2 =	vsub.f32 v49, v50;
	v53 =	vsub.f32 v51, v52;
	_ =	sdelay $0x1  }
0x45: {  	v0 =	vsub.f32 v0, v1;
	v54 =	vmul.f32 v2, v2;
	v55 =	vmul.f32 v53, v53;
	_ =	sdelay $0x1  }
0x46: {  	v0 =	vmul.f32 v0, v0;
	v1 =	vadd.f32 v55, v54;
	_ =	sdelay $0x1  }
0x47: {  	v0 =	vadd.f32 v0, v1;
	_ =	sdelay $0x1  }
0x48: {  	[tilespmem:s18+$0x0] =	vst v0  }
0x49: {  	v0 =	vld [tilespmem:s20+$0x10]  }
0x4a: {  	v56 =	vld [tilespmem:s19+$0x10];
	_ =	sdelay $0x6  }
0x4b: {  	v57 =	vld.idx.msk [tilespmem:v0+s5+$0x0], $0xffff  }
0x4c: {  	v58 =	vld.idx.msk [tilespmem:v56+s5+$0x0], $0xffff  }
0x4d: {  	v59 =	vld.idx.msk [tilespmem:v0+s11+$0x0], $0xffff  }
0x4e: {  	v60 =	vld.idx.msk [tilespmem:v56+s11+$0x0], $0xffff  }
0x4f: {  	v0 =	vld.idx.msk [tilespmem:v0+s12+$0x0], $0xffff  }
0x50: {  	v1 =	vld.idx.msk [tilespmem:v56+s12+$0x0], $0xffff;
	_ =	sdelay $0x2  }
0x51: {  	v2 =	vsub.f32 v57, v58;
	v61 =	vsub.f32 v59, v60;
	_ =	sdelay $0x1  }
0x52: {  	s17 =	sadd.s32 $0x4, s17;
	v0 =	vsub.f32 v0, v1;
	v62 =	vmul.f32 v2, v2;
	v63 =	vmul.f32 v61, v61  }
0x53: {  	p0 =	slt.u32 s17, $0x26C  }
.Ltmp0:
0x54: {  	v0 =	vmul.f32 v0, v0;
	v1 =	vadd.f32 v63, v62;
	(pc) =	sbr.rel @p0 .LBB2_2-.Ltmp0, $3  }
0x55: {  	_ = 	snop  }
0x56: {  	v0 =	vadd.f32 v0, v1;
	_ =	sdelay $0x1  }
0x57: {  	s19 =	sadd.s32 $0x40, s19;
	s20 =	sadd.s32 $0x40, s20;
	[tilespmem:s18+$0x10] =	vst v0;
	s18 =	sadd.s32 $0x40, s18  }
0x58: {  	v0 =	vld [tilespmem:$0x9D80]  }
0x59: {  	v1 =	vld [tilespmem:$0xC500];
	_ =	sdelay $0x6  }
0x5a: {  	v2 =	vld.idx.msk [tilespmem:v0+s5+$0x0], $0xffff  }
0x5b: {  	v3 =	vld.idx.msk [tilespmem:v1+s5+$0x0], $0xffff  }
0x5c: {  	v4 =	vld.idx.msk [tilespmem:v0+s11+$0x0], $0xffff  }
0x5d: {  	v5 =	vld.idx.msk [tilespmem:v1+s11+$0x0], $0xffff  }
0x5e: {  	v0 =	vld.idx.msk [tilespmem:v0+s12+$0x0], $0xffff  }
0x5f: {  	v1 =	vld.idx.msk [tilespmem:v1+s12+$0x0], $0xffff;
	_ =	sdelay $0x2  }
0x60: {  	v2 =	vsub.f32 v2, v3;
	v61 =	vsub.f32 v4, v5;
	_ =	sdelay $0x1  }
0x61: {  	v0 =	vsub.f32 v0, v1;
	v62 =	vmul.f32 v2, v2;
	v63 =	vmul.f32 v61, v61;
	_ =	sdelay $0x1  }
0x62: {  	v0 =	vmul.f32 v0, v0;
	v1 =	vadd.f32 v63, v62;
	_ =	sdelay $0x1  }
0x63: {  	s16 =	sadd.s32 $0x1, s16;
	v0 =	vadd.f32 v0, v1  }
0x64: {  	p0 =	sne.s32 s16, s9  }
.Ltmp1:
0x65: {  	[tilespmem:$0xEC80] =	vst v0;
	(pc) =	sbr.rel @p0 .LBB2_1-.Ltmp1, $4  }
0x66: {  	[hbm4b:s8+s5] =	stream.linear.scatter [tilespmem:s15], [sflag:$0x1], $0x2710, $0x38;
	[tilespmem:$0xED00] =	vst v63  }
0x67: {  	_ =	swait.ge [sflag:s10], $0x2710  }
0x68: {  	[sflag:s10] =	ssyncset.done $0x0  }
0x69: {  	[sflag:s10] =	ssyncadd.s32 $0xFFFFD8F0  }
0x6a: {  	_ =	sfence.sel $0x180000  }
0x6b: {  	[bflag:$0x0] =	sbarrier.arrive $0xFFFF  }
0x6c: {  	p0 =	sne.s32 s4, $0x0;
	_ =	strace $0x90000047  }
0x6d: {  	s0 =	sadd.s32 @!p0 $0x100000, s3;
	[bflag:$0x2] =	sbarrier.arrive $0xFFFF  }
0x6e: {  	[sflag:s0] =	ssyncadd.tile.s32 @!p0 $0x1;
	_ =	shalt  }
.Lfunc_end2:
_tile_overlayer_lowered:
.L_overlay_start_2:
0x6f: {  	(tag) =	ssettag $0x2  }
0x70: {  	s0 =	rddreg [dreg:$0x0];
	s2 =	stileid.u32  }
0x71: {  	s1 =	rddreg [dreg:$0x1];
	p0 =	sne.s32 s2, $0x0  }
0x72: {  	s3 =	rddreg [dreg:$0x2];
	[bflag:$0x3] =	sbarrier.arrive $0xFFFF;
	s2 =	simm.s32 @!p0 $0x1C01  }
0x73: {  	[timem:s3], [sflag:s2] =	dma.local @!p0 [hbm:s0], s1  }
0x74: {  	s0 =	simm.s32 @!p0 $0x1  }
0x75: {  	_ =	swait.ge @!p0 [sflag:s0], s1  }
0x76: {  	s1 =	ssub.s32 @!p0 $0x0, s1;
	[sflag:s0] =	ssyncset.done @!p0 $0x0  }
0x77: {  	[sflag:s0] =	ssyncadd.s32 @!p0 s1  }
0x78: {  	[bflag:$0x3] =	sbarrier.arrive $0xFFFF  }
0x79: {  	_ =	shalt  }

</sc_bundles>
